<compile_context>
chip_gen: v7x
topology: tpu7x:2x2x1
jax: 0.10.2.dev20260603
libtpu: 0.0.44.dev20260713+nightly
codegen_flags: <defaults>
</compile_context>

<pallas_src>
import dataclasses
import functools

import jax
import jax.numpy as jnp
from jax import lax
from jax.experimental import pallas as pl
from jax.experimental.pallas import tpu as pltpu
from jax.experimental.pallas import tpu_sc as plsc

N_NODES = 5000
E_TOTAL = 160000
D_S = 128
D_T = 16
D_E = 16

NW = 32
EPW = E_TOTAL // NW
NPAD = 5120
NPW = NPAD // NW

_vmesh = plsc.VectorSubcoreMesh(core_axis_name="c", subcore_axis_name="s")

_sc_params = pltpu.CompilerParams()
if "needs_layout_passes" in pltpu.CompilerParams.__dataclass_fields__:
    _sc_params = dataclasses.replace(_sc_params, needs_layout_passes=False)
if "use_tc_tiling_on_sc" in pltpu.CompilerParams.__dataclass_fields__:
    _sc_params = dataclasses.replace(_sc_params, use_tc_tiling_on_sc=False)


@jax.jit
def _sc_scatter(edge_src, edge_dst):

    @functools.partial(
        pl.kernel,
        out_type=[
            jax.ShapeDtypeStruct((NW * NPAD,), jnp.int32),
            jax.ShapeDtypeStruct((NW * NPAD,), jnp.int32),
        ],
        mesh=_vmesh,
        compiler_params=_sc_params,
        scratch_types=[
            pltpu.VMEM((EPW + 16,), jnp.int32),
            pltpu.VMEM((EPW + 16,), jnp.int32),
            pltpu.VMEM((NPAD,), jnp.int32),
            pltpu.VMEM((NPAD,), jnp.int32),
            pltpu.VMEM((4, 32), jnp.int32),
        ],
    )
    def k(src_hbm, dst_hbm, pr_hbm, pg_hbm, src_v, dst_v, lr_v, lg_v,
          shift_v):
        wid = lax.axis_index("s") * 2 + lax.axis_index("c")
        base = wid * EPW
        pltpu.sync_copy(src_hbm.at[pl.ds(base, EPW)],
                        src_v.at[pl.ds(0, EPW)])
        pltpu.sync_copy(dst_hbm.at[pl.ds(base, EPW)],
                        dst_v.at[pl.ds(0, EPW)])

        neg = jnp.full((16,), -1, jnp.int32)

        @pl.loop(0, NPAD, step=16)
        def _(i):
            lr_v[pl.ds(i, 16)] = neg
            lg_v[pl.ds(i, 16)] = neg

        iota16 = lax.iota(jnp.int32, 16)
        for q in range(4):
            shift_v[q, pl.ds(16, 16)] = neg

        def scatter_one(arr_ref, q, idxv, val):
            comp = (idxv << 18) | val
            sk, sval = plsc.sort_key_val(comp, val)
            shift_v[q, pl.ds(0, 16)] = sk
            nxt = shift_v[q, pl.ds(1, 16)]
            is_last = (sk >> 18) != (nxt >> 18)
            plsc.store_scatter(arr_ref, [sk >> 18], sval, mask=is_last)

        def do_vreg(k_, qbase, valid):
            sv = src_v[pl.ds(k_, 16)]
            dv = dst_v[pl.ds(k_, 16)]
            val = base + k_ + iota16
            if valid is not None:
                sv = jnp.where(valid, sv, NPAD - 1)
                dv = jnp.where(valid, dv, NPAD - 1)
                val = jnp.where(valid, val, 0)
            scatter_one(lr_v, qbase, sv, val)
            scatter_one(lg_v, qbase + 1, dv, val)

        tail_n = EPW % 32
        main_hi = EPW - tail_n

        @pl.loop(0, main_hi, step=32)
        def _(k_):
            do_vreg(k_, 0, None)
            do_vreg(k_ + 16, 2, None)

        if tail_n >= 16:
            do_vreg(main_hi, 0, None)
        rem = EPW % 16
        if rem:
            do_vreg(EPW - rem, 2, iota16 < rem)

        pltpu.sync_copy(lr_v, pr_hbm.at[pl.ds(wid * NPAD, NPAD)])
        pltpu.sync_copy(lg_v, pg_hbm.at[pl.ds(wid * NPAD, NPAD)])

    return k(edge_src, edge_dst)


@jax.jit
def _sc_gather(part_r, part_g, edge_src, edge_dst, t, ev, si, sj):

    out_type = [
        jax.ShapeDtypeStruct((NPAD, D_S), jnp.float32),
        jax.ShapeDtypeStruct((NPAD, D_S), jnp.float32),
        jax.ShapeDtypeStruct((NPAD, D_S), jnp.float32),
        jax.ShapeDtypeStruct((NPAD, D_S), jnp.float32),
        jax.ShapeDtypeStruct((2, NPAD), jnp.float32),
    ]

    @functools.partial(
        pl.kernel,
        out_type=out_type,
        mesh=_vmesh,
        compiler_params=_sc_params,
        scratch_types=[
            pltpu.VMEM((2, NW, NPW), jnp.int32),
            pltpu.VMEM((2, NPW), jnp.int32),
            pltpu.VMEM((2, NPW), jnp.float32),
            pltpu.VMEM((2, NPW), jnp.int32),
            pltpu.VMEM((2, NPW), jnp.float32),
            pltpu.VMEM((2, D_E * NPW), jnp.int32),
            pltpu.VMEM((2, D_E * NPW), jnp.float32),
            pltpu.VMEM((2, NPW, 2 * D_E), jnp.float32),
            pltpu.VMEM((2, NPW, D_S), jnp.float32),
            pltpu.SemaphoreType.DMA,
            pltpu.SemaphoreType.DMA,
            pltpu.SemaphoreType.DMA,
        ],
    )
    def k(pr_hbm, pg_hbm, src_hbm, dst_hbm, t_hbm, ev_hbm, si_hbm, sj_hbm,
          er_hbm, ur_hbm, eg_hbm, ug_hbm, tT_hbm,
          part_v, k_v, mask_v, oid_v, tsel_v, eidx_v, et_v, esel_v, usel_v,
          sem, semp0, semp1):
        wid = lax.axis_index("s") * 2 + lax.axis_index("c")
        base = wid * NPW
        iota16 = lax.iota(jnp.int32, 16)
        sides = [
            (0, pr_hbm, dst_hbm, sj_hbm, er_hbm, ur_hbm, semp0),
            (1, pg_hbm, src_hbm, si_hbm, eg_hbm, ug_hbm, semp1),
        ]

        part_copies = [
            pltpu.async_copy(p_hbm.at[pl.ds(w * NPAD + base, NPW)],
                             part_v.at[i, w], sem)
            for (i, p_hbm, *_rest) in sides
            for w in range(NW)
        ]
        for c_ in part_copies:
            c_.wait()

        peer_copies = []
        misc_copies = []
        for (i, _p, peer_hbm, _tab, _es, _us, semp) in sides:
            @pl.loop(0, NPW, step=16)
            def _(r, i=i):
                m = part_v[i, 0, pl.ds(r, 16)]
                for w in range(1, NW):
                    m = jnp.maximum(m, part_v[i, w, pl.ds(r, 16)])
                mask_v[i, pl.ds(r, 16)] = jnp.where(
                    m >= 0, jnp.float32(1.0), jnp.float32(0.0))
                kk = jnp.maximum(m, 0)
                k_v[i, pl.ds(r, 16)] = kk
                for c in range(D_E):
                    eidx_v[i, pl.ds(c * NPW + r, 16)] = kk + c * E_TOTAL

            peer_copies.append(
                pltpu.async_copy(peer_hbm.at[k_v.at[i]], oid_v.at[i], semp))
            misc_copies.append(
                pltpu.async_copy(t_hbm.at[k_v.at[i]], tsel_v.at[i], sem))
            misc_copies.append(
                pltpu.async_copy(ev_hbm.at[eidx_v.at[i]], et_v.at[i], sem))

        table_copies = []
        for idx, (i, _p, _peer, table_hbm, _es, _us, _semp) in enumerate(sides):
            peer_copies[idx].wait()
            table_copies.append(
                pltpu.async_copy(table_hbm.at[oid_v.at[i]], usel_v.at[i],
                                 _semp))
        for c_ in misc_copies:
            c_.wait()

        out_copies = []
        for (i, _p, _peer, _tab, es_hbm, us_hbm, _semp) in sides:
            @pl.loop(0, NPW)
            def _(j, i=i):
                esel_v[i, j, pl.ds(0, D_E)] = plsc.load_gather(
                    et_v.at[i], [iota16 * NPW + j])

            @pl.loop(0, NPW, step=16)
            def _(r, i=i):
                rows = r + iota16
                plsc.store_scatter(
                    esel_v.at[i], [rows, jnp.full((16,), D_E, jnp.int32)],
                    mask_v[i, pl.ds(r, 16)])

            out_copies.append(
                pltpu.async_copy(
                    esel_v.at[i],
                    es_hbm.at[pl.ds(base, NPW), pl.ds(0, 2 * D_E)], sem))
            out_copies.append(
                pltpu.async_copy(tsel_v.at[i],
                                 tT_hbm.at[i, pl.ds(base, NPW)], sem))

        for c_ in table_copies:
            c_.wait()
        for (i, _p, _peer, _tab, _es, us_hbm, _semp) in sides:
            out_copies.append(
                pltpu.async_copy(usel_v.at[i], us_hbm.at[pl.ds(base, NPW)],
                                 sem))
        for c_ in out_copies:
            c_.wait()

    return k(part_r, part_g, edge_src, edge_dst, t, ev, si, sj)


ROWS_PER_BLOCK = 1024
_GRID = (N_NODES + ROWS_PER_BLOCK - 1) // ROWS_PER_BLOCK


def _gru_body(si_ref, sj_ref, ur_ref, ug_ref, cr_ref, cg_ref, tT_ref,
              bf_ref, ph_ref, wa_ref, w3_ref, whh_ref, bih_ref,
              bhh_ref, osi_ref, osj_ref):
    wa = wa_ref[...].astype(jnp.bfloat16)
    w3 = w3_ref[...].astype(jnp.bfloat16)
    whh = whh_ref[...].astype(jnp.bfloat16)
    bih = bih_ref[...]
    bhh = bhh_ref[...]
    bf = bf_ref[...]
    ph = ph_ref[...]

    def side(h, u, combo, tT):
        esel = combo[:, :D_E]
        m = combo[:, D_E:D_E + 1]
        teT = jnp.cos(bf * tT + ph)
        x3 = jnp.concatenate([u, h, esel], axis=1)
        gi = (lax.dot_general(x3.astype(jnp.bfloat16), wa,
                              (((1,), (1,)), ((), ())),
                              preferred_element_type=jnp.float32)
              + lax.dot_general(teT.astype(jnp.bfloat16), w3,
                                (((0,), (1,)), ((), ())),
                                preferred_element_type=jnp.float32)) * m + bih
        gh = lax.dot_general(h.astype(jnp.bfloat16), whh,
                             (((1,), (1,)), ((), ())),
                             preferred_element_type=jnp.float32) + bhh
        r = jax.nn.sigmoid(gi[:, :D_S] + gh[:, :D_S])
        z = jax.nn.sigmoid(gi[:, D_S:2 * D_S] + gh[:, D_S:2 * D_S])
        n = jnp.tanh(gi[:, 2 * D_S:] + r * gh[:, 2 * D_S:])
        return (1.0 - z) * n + z * h

    osi_ref[...] = side(si_ref[...], ur_ref[...], cr_ref[...],
                        tT_ref[0:1, :])
    osj_ref[...] = side(sj_ref[...], ug_ref[...], cg_ref[...],
                        tT_ref[1:2, :])


def _row_spec(cols):
    return pl.BlockSpec((ROWS_PER_BLOCK, cols), lambda i: (i, 0))


def _full_spec(rows, cols):
    return pl.BlockSpec((rows, cols), lambda i: (0, 0))


def _tc_gru(si, sj, ur, ug, cr, cg, tT, bf2, ph2, wa, w3, w_hh, bih2, bhh2):
    return pl.pallas_call(
        _gru_body,
        grid=(_GRID,),
        in_specs=[
            _row_spec(D_S), _row_spec(D_S),
            _row_spec(D_S), _row_spec(D_S),
            _row_spec(D_S), _row_spec(D_S),
            pl.BlockSpec((2, ROWS_PER_BLOCK), lambda i: (0, i)),
            _full_spec(D_T, 1), _full_spec(D_T, 1),
            _full_spec(3 * D_S, 2 * D_S + D_E),
            _full_spec(3 * D_S, D_T),
            _full_spec(3 * D_S, D_S),
            _full_spec(1, 3 * D_S), _full_spec(1, 3 * D_S),
        ],
        out_specs=[_row_spec(D_S), _row_spec(D_S)],
        out_shape=[
            jax.ShapeDtypeStruct((N_NODES, D_S), jnp.float32),
            jax.ShapeDtypeStruct((N_NODES, D_S), jnp.float32),
        ],
    )(si, sj, ur, ug, cr, cg, tT, bf2, ph2, wa, w3, w_hh, bih2, bhh2)


def kernel(si, sj, t, e, edge_src, edge_dst, basis_freq, phase,
           w_ih, w_hh, b_ih, b_hh):
    part_r, part_g = _sc_scatter(edge_src, edge_dst)
    ev = e.T.reshape(-1)
    cr, ur, cg, ug, tT = _sc_gather(
        part_r, part_g, edge_src, edge_dst, t, ev, si, sj)

    wa = jnp.concatenate([w_ih[:, :2 * D_S], w_ih[:, 2 * D_S + D_T:]], axis=1)
    w3 = w_ih[:, 2 * D_S:2 * D_S + D_T]
    si_new, sj_new = _tc_gru(
        si, sj, ur, ug, cr, cg, tT,
        basis_freq.reshape(D_T, 1), phase.reshape(D_T, 1),
        wa, w3, w_hh, b_ih.reshape(1, 3 * D_S), b_hh.reshape(1, 3 * D_S))
    return (si_new, sj_new)

# --- scband reference (transcript-rebuilt; emitter-appended) ---
"""Pipeline reference for scband-message-9560597201508 (READ-ONLY COPY).

The authoritative reference and input builder live on the scoring server;
editing this copy changes nothing except your own understanding.
"""

import jax, jax.numpy as jnp
import numpy as np

N_USERS = 5000
N_ITEMS = 5000
E = 160000
D_S = 128
D_T = 16
D_E = 16
D_M = 2 * D_S + D_T + D_E  # 288


def gru_cell(x, h, w_ih, w_hh, b_ih, b_hh):
    # PyTorch nn.GRU single step semantics
    gi = x @ w_ih.T + b_ih
    gh = h @ w_hh.T + b_hh
    i_r, i_z, i_n = jnp.split(gi, 3, axis=1)
    h_r, h_z, h_n = jnp.split(gh, 3, axis=1)
    r = jax.nn.sigmoid(i_r + h_r)
    z = jax.nn.sigmoid(i_z + h_z)
    n = jnp.tanh(i_n + r * h_n)
    return (1.0 - z) * n + z * h


def setup_inputs(seed: int = 0):
    key = jax.random.key(seed)
    ks = jax.random.split(key, 10)
    si = jax.random.normal(ks[0], (N_USERS, D_S), dtype=jnp.float32)
    sj = jax.random.normal(ks[1], (N_ITEMS, D_S), dtype=jnp.float32)
    t = jax.random.uniform(ks[2], (E,), dtype=jnp.float32)
    e = jax.random.normal(ks[3], (E, D_E), dtype=jnp.float32)
    edge_src = jax.random.randint(ks[4], (E,), 0, N_USERS, dtype=jnp.int32)
    edge_dst = jax.random.randint(ks[5], (E,), 0, N_ITEMS, dtype=jnp.int32)
    # TimeEncode parameters (requires_grad=False in torch)
    basis_freq = jnp.asarray(1.0 / 10 ** np.linspace(0, 9, D_T), dtype=jnp.float32)
    phase = jnp.zeros((D_T,), dtype=jnp.float32)
    # GRU parameters, PyTorch default init U(-1/sqrt(H), 1/sqrt(H))
    kk = 1.0 / np.sqrt(D_S)
    w_ih = jax.random.uniform(ks[6], (3 * D_S, D_M), minval=-kk, maxval=kk, dtype=jnp.float32)
    w_hh = jax.random.uniform(ks[7], (3 * D_S, D_S), minval=-kk, maxval=kk, dtype=jnp.float32)
    b_ih = jax.random.uniform(ks[8], (3 * D_S,), minval=-kk, maxval=kk, dtype=jnp.float32)
    b_hh = jax.random.uniform(ks[9], (3 * D_S,), minval=-kk, maxval=kk, dtype=jnp.float32)
    return {"si": si, "sj": sj, "t": t, "e": e,
            "edge_src": edge_src, "edge_dst": edge_dst,
            "basis_freq": basis_freq, "phase": phase,
            "w_ih": w_ih, "w_hh": w_hh, "b_ih": b_ih, "b_hh": b_hh}


def reference(si, sj, t, e, edge_src, edge_dst, basis_freq, phase, w_ih, w_hh, b_ih, b_hh):
    # TimeEncode
    time_emb = jnp.cos(t[:, None] * basis_freq[None, :] + phase[None, :])
    eid = jnp.arange(E, dtype=jnp.int32)
    # graph g: users(src, memory si) -> items(dst, memory sj)
    mail_g = jnp.concatenate([si[edge_src], sj[edge_dst], time_emb, e], axis=1)
    last_g = jax.ops.segment_max(eid, edge_dst, num_segments=N_ITEMS)
    has_g = last_g >= 0
    mj = jnp.where(has_g[:, None], mail_g[jnp.clip(last_g, 0)], 0.0)
    # reverse graph g_r: items(src, memory sj) -> users(dst, memory si)
    mail_r = jnp.concatenate([sj[edge_dst], si[edge_src], time_emb, e], axis=1)
    last_r = jax.ops.segment_max(eid, edge_src, num_segments=N_USERS)
    has_r = last_r >= 0
    mi = jnp.where(has_r[:, None], mail_r[jnp.clip(last_r, 0)], 0.0)
    # shared GRU memory update (dropout p=0.0 is identity)
    si_new = gru_cell(mi, si, w_ih, w_hh, b_ih, b_hh)
    sj_new = gru_cell(mj, sj, w_ih, w_hh, b_ih, b_hh)
    return (si_new, sj_new)

if __name__ == "__main__":
    import jax
    _d = setup_inputs()
    print(jax.jit(kernel)(*tuple(_d.values())))

</pallas_src>

<mosaic_0001>
#map = affine_map<(d0, d1) -> (0)>
module attributes {stable_mosaic.version = 14 : i64} {
  func.func @k(%arg0: i32, %arg1: i32, %arg2: memref<160000xi32, #tpu.memory_space<hbm>>, %arg3: memref<160000xi32, #tpu.memory_space<hbm>>, %arg4: memref<163840xi32, #tpu.memory_space<hbm>>, %arg5: memref<163840xi32, #tpu.memory_space<hbm>>, %arg6: memref<5016xi32, #tpu.memory_space<vmem>>, %arg7: memref<5016xi32, #tpu.memory_space<vmem>>, %arg8: memref<5120xi32, #tpu.memory_space<vmem>>, %arg9: memref<5120xi32, #tpu.memory_space<vmem>>, %arg10: memref<4x32xi32, #tpu.memory_space<vmem>>) attributes {dimension_semantics = [#tpu.dimension_semantics<core_parallel>, #tpu.dimension_semantics<subcore_parallel>], iteration_bounds = array<i64: 2, 16>, scalar_prefetch = 0 : i64, scratch_operands = 5 : i64, tpu.core_type = #tpu.core_type<sc_vector_subcore>, window_params = [{transform_indices = #map}, {transform_indices = #map}, {transform_indices = #map}, {transform_indices = #map}]} {
    %mul3A = arith.constant 2 : i32
    %mul3A_0 = arith.muli %arg1, %mul3A : i32
    %add3A = arith.addi %mul3A_0, %arg0 : i32
    %mul3A_1 = arith.constant 5000 : i32
    %mul3A_2 = arith.muli %add3A, %mul3A_1 : i32
    "tpu.region"() ({
      %run_scoped3A = tpu.sem_alloc : memref<!tpu.dma_semaphore, #tpu.memory_space<semaphore_mem>>
      %dma_start3A = arith.constant 0 : i32
      %dma_start3A_103 = tpu.memref_slice %arg6[%dma_start3A] : memref<5016xi32, #tpu.memory_space<vmem>> -> memref<5000xi32, #tpu.memory_space<vmem>>
      %dma_start3A_104 = tpu.memref_slice %arg2[%mul3A_2] : memref<160000xi32, #tpu.memory_space<hbm>> -> memref<5000xi32, #tpu.memory_space<hbm>>
      %dma_start3A_105 = arith.constant 0 : i32
      %dma_start3A_106 = tpu.memref_slice %arg6[%dma_start3A_105] : memref<5016xi32, #tpu.memory_space<vmem>> -> memref<5000xi32, #tpu.memory_space<vmem>>
      %dma_start3A_107 = tpu.memref_slice %arg2[%mul3A_2] : memref<160000xi32, #tpu.memory_space<hbm>> -> memref<5000xi32, #tpu.memory_space<hbm>>
      tpu.enqueue_dma source(%dma_start3A_107 : memref<5000xi32, #tpu.memory_space<hbm>>) target(%dma_start3A_106 : memref<5000xi32, #tpu.memory_space<vmem>>) target_semaphore(%run_scoped3A : memref<!tpu.dma_semaphore, #tpu.memory_space<semaphore_mem>>)
      %dma_wait3A = arith.constant 0 : i32
      %dma_wait3A_108 = tpu.memref_slice %arg6[%dma_wait3A] : memref<5016xi32, #tpu.memory_space<vmem>> -> memref<5000xi32, #tpu.memory_space<vmem>>
      %dma_wait3A_109 = tpu.memref_slice %arg2[%mul3A_2] : memref<160000xi32, #tpu.memory_space<hbm>> -> memref<5000xi32, #tpu.memory_space<hbm>>
      %dma_wait3A_110 = arith.constant 0 : i32
      %dma_wait3A_111 = tpu.memref_slice %arg6[%dma_wait3A_110] : memref<5016xi32, #tpu.memory_space<vmem>> -> memref<5000xi32, #tpu.memory_space<vmem>>
      %dma_wait3A_112 = tpu.memref_slice %arg2[%mul3A_2] : memref<160000xi32, #tpu.memory_space<hbm>> -> memref<5000xi32, #tpu.memory_space<hbm>>
      tpu.wait_dma2 semaphore(%run_scoped3A : memref<!tpu.dma_semaphore, #tpu.memory_space<semaphore_mem>>) src(%dma_wait3A_112 : memref<5000xi32, #tpu.memory_space<hbm>>) dst(%dma_wait3A_111 : memref<5000xi32, #tpu.memory_space<vmem>>)
      tpu.yield
    }) : () -> ()
    "tpu.region"() ({
      %run_scoped3A = tpu.sem_alloc : memref<!tpu.dma_semaphore, #tpu.memory_space<semaphore_mem>>
      %dma_start3A = arith.constant 0 : i32
      %dma_start3A_103 = tpu.memref_slice %arg7[%dma_start3A] : memref<5016xi32, #tpu.memory_space<vmem>> -> memref<5000xi32, #tpu.memory_space<vmem>>
      %dma_start3A_104 = tpu.memref_slice %arg3[%mul3A_2] : memref<160000xi32, #tpu.memory_space<hbm>> -> memref<5000xi32, #tpu.memory_space<hbm>>
      %dma_start3A_105 = arith.constant 0 : i32
      %dma_start3A_106 = tpu.memref_slice %arg7[%dma_start3A_105] : memref<5016xi32, #tpu.memory_space<vmem>> -> memref<5000xi32, #tpu.memory_space<vmem>>
      %dma_start3A_107 = tpu.memref_slice %arg3[%mul3A_2] : memref<160000xi32, #tpu.memory_space<hbm>> -> memref<5000xi32, #tpu.memory_space<hbm>>
      tpu.enqueue_dma source(%dma_start3A_107 : memref<5000xi32, #tpu.memory_space<hbm>>) target(%dma_start3A_106 : memref<5000xi32, #tpu.memory_space<vmem>>) target_semaphore(%run_scoped3A : memref<!tpu.dma_semaphore, #tpu.memory_space<semaphore_mem>>)
      %dma_wait3A = arith.constant 0 : i32
      %dma_wait3A_108 = tpu.memref_slice %arg7[%dma_wait3A] : memref<5016xi32, #tpu.memory_space<vmem>> -> memref<5000xi32, #tpu.memory_space<vmem>>
      %dma_wait3A_109 = tpu.memref_slice %arg3[%mul3A_2] : memref<160000xi32, #tpu.memory_space<hbm>> -> memref<5000xi32, #tpu.memory_space<hbm>>
      %dma_wait3A_110 = arith.constant 0 : i32
      %dma_wait3A_111 = tpu.memref_slice %arg7[%dma_wait3A_110] : memref<5016xi32, #tpu.memory_space<vmem>> -> memref<5000xi32, #tpu.memory_space<vmem>>
      %dma_wait3A_112 = tpu.memref_slice %arg3[%mul3A_2] : memref<160000xi32, #tpu.memory_space<hbm>> -> memref<5000xi32, #tpu.memory_space<hbm>>
      tpu.wait_dma2 semaphore(%run_scoped3A : memref<!tpu.dma_semaphore, #tpu.memory_space<semaphore_mem>>) src(%dma_wait3A_112 : memref<5000xi32, #tpu.memory_space<hbm>>) dst(%dma_wait3A_111 : memref<5000xi32, #tpu.memory_space<vmem>>)
      tpu.yield
    }) : () -> ()
    %broadcast_in_dim3A = arith.constant -1 : i32
    %broadcast_in_dim3A_3 = vector.broadcast %broadcast_in_dim3A : i32 to vector<16xi32>
    %scan3A = arith.constant 0 : i32
    %scan3A_4 = arith.constant 320 : i32
    %scan3A_5 = arith.addi %scan3A, %scan3A_4 : i32
    %scan3A_6 = arith.constant 1 : i32
    scf.for %scan3A_103 = %scan3A to %scan3A_5 step %scan3A_6  : i32 {
      %mul3A_104 = arith.constant 16 : i32
      %mul3A_105 = arith.muli %scan3A_103, %mul3A_104 : i32
      %add3A_106 = arith.constant 0 : i32
      %add3A_107 = arith.addi %add3A_106, %mul3A_105 : i32
      %swap3A_108 = arith.index_cast %add3A_107 : i32 to index
      %swap3A_109 = tpu.vector_load %arg8[%swap3A_108] {strides = array<i32>} : memref<5120xi32, #tpu.memory_space<vmem>>, vector<16xi32>,
      tpu.vector_store %arg8[%swap3A_108], %broadcast_in_dim3A_3 {strides = array<i32>} : memref<5120xi32, #tpu.memory_space<vmem>>, vector<16xi32>,
      %swap3A_110 = arith.index_cast %add3A_107 : i32 to index
      %swap3A_111 = tpu.vector_load %arg9[%swap3A_110] {strides = array<i32>} : memref<5120xi32, #tpu.memory_space<vmem>>, vector<16xi32>,
      tpu.vector_store %arg9[%swap3A_110], %broadcast_in_dim3A_3 {strides = array<i32>} : memref<5120xi32, #tpu.memory_space<vmem>>, vector<16xi32>,
    }
    %scan3A_7 = arith.constant 320 : i32
    %iota3A = tpu.iota {dimensions = array<i32: 0>} : vector<16xi32>
    %swap3A = arith.constant 0 : i32
    %swap3A_8 = arith.index_cast %swap3A : i32 to index
    %swap3A_9 = arith.constant 16 : index
    %swap3A_10 = tpu.vector_load %arg10[%swap3A_8, %swap3A_9] {strides = array<i32>} : memref<4x32xi32, #tpu.memory_space<vmem>>, vector<16xi32>,
    tpu.vector_store %arg10[%swap3A_8, %swap3A_9], %broadcast_in_dim3A_3 {strides = array<i32>} : memref<4x32xi32, #tpu.memory_space<vmem>>, vector<16xi32>,
    %swap3A_11 = arith.constant 1 : i32
    %swap3A_12 = arith.index_cast %swap3A_11 : i32 to index
    %swap3A_13 = arith.constant 16 : index
    %swap3A_14 = tpu.vector_load %arg10[%swap3A_12, %swap3A_13] {strides = array<i32>} : memref<4x32xi32, #tpu.memory_space<vmem>>, vector<16xi32>,
    tpu.vector_store %arg10[%swap3A_12, %swap3A_13], %broadcast_in_dim3A_3 {strides = array<i32>} : memref<4x32xi32, #tpu.memory_space<vmem>>, vector<16xi32>,
    %swap3A_15 = arith.constant 2 : i32
    %swap3A_16 = arith.index_cast %swap3A_15 : i32 to index
    %swap3A_17 = arith.constant 16 : index
    %swap3A_18 = tpu.vector_load %arg10[%swap3A_16, %swap3A_17] {strides = array<i32>} : memref<4x32xi32, #tpu.memory_space<vmem>>, vector<16xi32>,
    tpu.vector_store %arg10[%swap3A_16, %swap3A_17], %broadcast_in_dim3A_3 {strides = array<i32>} : memref<4x32xi32, #tpu.memory_space<vmem>>, vector<16xi32>,
    %swap3A_19 = arith.constant 3 : i32
    %swap3A_20 = arith.index_cast %swap3A_19 : i32 to index
    %swap3A_21 = arith.constant 16 : index
    %swap3A_22 = tpu.vector_load %arg10[%swap3A_20, %swap3A_21] {strides = array<i32>} : memref<4x32xi32, #tpu.memory_space<vmem>>, vector<16xi32>,
    tpu.vector_store %arg10[%swap3A_20, %swap3A_21], %broadcast_in_dim3A_3 {strides = array<i32>} : memref<4x32xi32, #tpu.memory_space<vmem>>, vector<16xi32>,
    %scan3A_23 = arith.constant 0 : i32
    %scan3A_24 = arith.constant 156 : i32
    %scan3A_25 = arith.addi %scan3A_23, %scan3A_24 : i32
    %scan3A_26 = arith.constant 1 : i32
    scf.for %scan3A_103 = %scan3A_23 to %scan3A_25 step %scan3A_26  : i32 {
      %mul3A_104 = arith.constant 32 : i32
      %mul3A_105 = arith.muli %scan3A_103, %mul3A_104 : i32
      %add3A_106 = arith.constant 0 : i32
      %add3A_107 = arith.addi %add3A_106, %mul3A_105 : i32
      %get3A_108 = arith.index_cast %add3A_107 : i32 to index
      %get3A_109 = tpu.vector_load %arg6[%get3A_108] {strides = array<i32>} : memref<5016xi32, #tpu.memory_space<vmem>>, vector<16xi32>,
      %get3A_110 = arith.index_cast %add3A_107 : i32 to index
      %get3A_111 = tpu.vector_load %arg7[%get3A_110] {strides = array<i32>} : memref<5016xi32, #tpu.memory_space<vmem>>, vector<16xi32>,
      %add3A_112 = arith.addi %mul3A_2, %add3A_107 : i32
      %add3A_113 = vector.broadcast %add3A_112 : i32 to vector<16xi32>
      %add3A_114 = arith.addi %add3A_113, %iota3A : vector<16xi32>
      %shift_left3A_115 = arith.constant 18 : i32
      %shift_left3A_116 = vector.broadcast %shift_left3A_115 : i32 to vector<16xi32>
      %shift_left3A_117 = arith.shli %get3A_109, %shift_left3A_116 : vector<16xi32>
      %or3A_118 = arith.ori %shift_left3A_117, %add3A_114 : vector<16xi32>
      %masked_sort3A_119 = arith.constant dense<true> : vector<16xi1>
      %masked_sort3A_120 = arith.constant -2147483648 : i32
      %masked_sort3A_121 = vector.broadcast %masked_sort3A_120 : i32 to vector<16xi32>
      %masked_sort3A_122 = arith.xori %or3A_118, %masked_sort3A_121 : vector<16xi32>
      %masked_sort3A_123, %masked_sort3A_124, %masked_sort3A_125 = tpu.sort %masked_sort3A_122, %add3A_114 masked %masked_sort3A_119 : (vector<16xi32>, vector<16xi32>, vector<16xi1>) -> (vector<16xi1>, vector<16xi32>, vector<16xi32>)
      %masked_sort3A_126 = arith.xori %masked_sort3A_124, %masked_sort3A_121 : vector<16xi32>
      %swap3A_127 = arith.constant 0 : i32
      %swap3A_128 = arith.index_cast %swap3A_127 : i32 to index
      %swap3A_129 = arith.constant 0 : index
      %swap3A_130 = tpu.vector_load %arg10[%swap3A_128, %swap3A_129] {strides = array<i32>} : memref<4x32xi32, #tpu.memory_space<vmem>>, vector<16xi32>,
      tpu.vector_store %arg10[%swap3A_128, %swap3A_129], %masked_sort3A_126 {strides = array<i32>} : memref<4x32xi32, #tpu.memory_space<vmem>>, vector<16xi32>,
      %get3A_131 = arith.constant 0 : i32
      %get3A_132 = arith.index_cast %get3A_131 : i32 to index
      %get3A_133 = arith.constant 1 : index
      %get3A_134 = tpu.vector_load %arg10[%get3A_132, %get3A_133] {strides = array<i32>} : memref<4x32xi32, #tpu.memory_space<vmem>>, vector<16xi32>,
      %shift_right_arithmetic3A_135 = arith.constant 18 : i32
      %shift_right_arithmetic3A_136 = vector.broadcast %shift_right_arithmetic3A_135 : i32 to vector<16xi32>
      %shift_right_arithmetic3A_137 = arith.shrsi %masked_sort3A_126, %shift_right_arithmetic3A_136 : vector<16xi32>
      %shift_right_arithmetic3A_138 = arith.constant 18 : i32
      %shift_right_arithmetic3A_139 = vector.broadcast %shift_right_arithmetic3A_138 : i32 to vector<16xi32>
      %shift_right_arithmetic3A_140 = arith.shrsi %get3A_134, %shift_right_arithmetic3A_139 : vector<16xi32>
      %ne3A_141 = arith.cmpi ne, %shift_right_arithmetic3A_137, %shift_right_arithmetic3A_140 : vector<16xi32>
      %shift_right_arithmetic3A_142 = arith.constant 18 : i32
      %shift_right_arithmetic3A_143 = vector.broadcast %shift_right_arithmetic3A_142 : i32 to vector<16xi32>
      %shift_right_arithmetic3A_144 = arith.shrsi %masked_sort3A_126, %shift_right_arithmetic3A_143 : vector<16xi32>
      tpu.vector_store_idx %arg8[%shift_right_arithmetic3A_144], %masked_sort3A_125 masked %ne3A_141 : memref<5120xi32, #tpu.memory_space<vmem>>[vector<16xi32>], vector<16xi32>, vector<16xi1>
      %shift_left3A_145 = arith.constant 18 : i32
      %shift_left3A_146 = vector.broadcast %shift_left3A_145 : i32 to vector<16xi32>
      %shift_left3A_147 = arith.shli %get3A_111, %shift_left3A_146 : vector<16xi32>
      %or3A_148 = arith.ori %shift_left3A_147, %add3A_114 : vector<16xi32>
      %masked_sort3A_149 = arith.constant dense<true> : vector<16xi1>
      %masked_sort3A_150 = arith.constant -2147483648 : i32
      %masked_sort3A_151 = vector.broadcast %masked_sort3A_150 : i32 to vector<16xi32>
      %masked_sort3A_152 = arith.xori %or3A_148, %masked_sort3A_151 : vector<16xi32>
      %masked_sort3A_153, %masked_sort3A_154, %masked_sort3A_155 = tpu.sort %masked_sort3A_152, %add3A_114 masked %masked_sort3A_149 : (vector<16xi32>, vector<16xi32>, vector<16xi1>) -> (vector<16xi1>, vector<16xi32>, vector<16xi32>)
      %masked_sort3A_156 = arith.xori %masked_sort3A_154, %masked_sort3A_151 : vector<16xi32>
      %swap3A_157 = arith.constant 1 : i32
      %swap3A_158 = arith.index_cast %swap3A_157 : i32 to index
      %swap3A_159 = arith.constant 0 : index
      %swap3A_160 = tpu.vector_load %arg10[%swap3A_158, %swap3A_159] {strides = array<i32>} : memref<4x32xi32, #tpu.memory_space<vmem>>, vector<16xi32>,
      tpu.vector_store %arg10[%swap3A_158, %swap3A_159], %masked_sort3A_156 {strides = array<i32>} : memref<4x32xi32, #tpu.memory_space<vmem>>, vector<16xi32>,
      %get3A_161 = arith.constant 1 : i32
      %get3A_162 = arith.index_cast %get3A_161 : i32 to index
      %get3A_163 = arith.constant 1 : index
      %get3A_164 = tpu.vector_load %arg10[%get3A_162, %get3A_163] {strides = array<i32>} : memref<4x32xi32, #tpu.memory_space<vmem>>, vector<16xi32>,
      %shift_right_arithmetic3A_165 = arith.constant 18 : i32
      %shift_right_arithmetic3A_166 = vector.broadcast %shift_right_arithmetic3A_165 : i32 to vector<16xi32>
      %shift_right_arithmetic3A_167 = arith.shrsi %masked_sort3A_156, %shift_right_arithmetic3A_166 : vector<16xi32>
      %shift_right_arithmetic3A_168 = arith.constant 18 : i32
      %shift_right_arithmetic3A_169 = vector.broadcast %shift_right_arithmetic3A_168 : i32 to vector<16xi32>
      %shift_right_arithmetic3A_170 = arith.shrsi %get3A_164, %shift_right_arithmetic3A_169 : vector<16xi32>
      %ne3A_171 = arith.cmpi ne, %shift_right_arithmetic3A_167, %shift_right_arithmetic3A_170 : vector<16xi32>
      %shift_right_arithmetic3A_172 = arith.constant 18 : i32
      %shift_right_arithmetic3A_173 = vector.broadcast %shift_right_arithmetic3A_172 : i32 to vector<16xi32>
      %shift_right_arithmetic3A_174 = arith.shrsi %masked_sort3A_156, %shift_right_arithmetic3A_173 : vector<16xi32>
      tpu.vector_store_idx %arg9[%shift_right_arithmetic3A_174], %masked_sort3A_155 masked %ne3A_171 : memref<5120xi32, #tpu.memory_space<vmem>>[vector<16xi32>], vector<16xi32>, vector<16xi1>
      %add3A_175 = arith.constant 16 : i32
      %add3A_176 = arith.addi %add3A_107, %add3A_175 : i32
      %get3A_177 = arith.index_cast %add3A_176 : i32 to index
      %get3A_178 = tpu.vector_load %arg6[%get3A_177] {strides = array<i32>} : memref<5016xi32, #tpu.memory_space<vmem>>, vector<16xi32>,
      %get3A_179 = arith.index_cast %add3A_176 : i32 to index
      %get3A_180 = tpu.vector_load %arg7[%get3A_179] {strides = array<i32>} : memref<5016xi32, #tpu.memory_space<vmem>>, vector<16xi32>,
      %add3A_181 = arith.addi %mul3A_2, %add3A_176 : i32
      %add3A_182 = vector.broadcast %add3A_181 : i32 to vector<16xi32>
      %add3A_183 = arith.addi %add3A_182, %iota3A : vector<16xi32>
      %shift_left3A_184 = arith.constant 18 : i32
      %shift_left3A_185 = vector.broadcast %shift_left3A_184 : i32 to vector<16xi32>
      %shift_left3A_186 = arith.shli %get3A_178, %shift_left3A_185 : vector<16xi32>
      %or3A_187 = arith.ori %shift_left3A_186, %add3A_183 : vector<16xi32>
      %masked_sort3A_188 = arith.constant dense<true> : vector<16xi1>
      %masked_sort3A_189 = arith.constant -2147483648 : i32
      %masked_sort3A_190 = vector.broadcast %masked_sort3A_189 : i32 to vector<16xi32>
      %masked_sort3A_191 = arith.xori %or3A_187, %masked_sort3A_190 : vector<16xi32>
      %masked_sort3A_192, %masked_sort3A_193, %masked_sort3A_194 = tpu.sort %masked_sort3A_191, %add3A_183 masked %masked_sort3A_188 : (vector<16xi32>, vector<16xi32>, vector<16xi1>) -> (vector<16xi1>, vector<16xi32>, vector<16xi32>)
      %masked_sort3A_195 = arith.xori %masked_sort3A_193, %masked_sort3A_190 : vector<16xi32>
      %swap3A_196 = arith.constant 2 : i32
      %swap3A_197 = arith.index_cast %swap3A_196 : i32 to index
      %swap3A_198 = arith.constant 0 : index
      %swap3A_199 = tpu.vector_load %arg10[%swap3A_197, %swap3A_198] {strides = array<i32>} : memref<4x32xi32, #tpu.memory_space<vmem>>, vector<16xi32>,
      tpu.vector_store %arg10[%swap3A_197, %swap3A_198], %masked_sort3A_195 {strides = array<i32>} : memref<4x32xi32, #tpu.memory_space<vmem>>, vector<16xi32>,
      %get3A_200 = arith.constant 2 : i32
      %get3A_201 = arith.index_cast %get3A_200 : i32 to index
      %get3A_202 = arith.constant 1 : index
      %get3A_203 = tpu.vector_load %arg10[%get3A_201, %get3A_202] {strides = array<i32>} : memref<4x32xi32, #tpu.memory_space<vmem>>, vector<16xi32>,
      %shift_right_arithmetic3A_204 = arith.constant 18 : i32
      %shift_right_arithmetic3A_205 = vector.broadcast %shift_right_arithmetic3A_204 : i32 to vector<16xi32>
      %shift_right_arithmetic3A_206 = arith.shrsi %masked_sort3A_195, %shift_right_arithmetic3A_205 : vector<16xi32>
      %shift_right_arithmetic3A_207 = arith.constant 18 : i32
      %shift_right_arithmetic3A_208 = vector.broadcast %shift_right_arithmetic3A_207 : i32 to vector<16xi32>
      %shift_right_arithmetic3A_209 = arith.shrsi %get3A_203, %shift_right_arithmetic3A_208 : vector<16xi32>
      %ne3A_210 = arith.cmpi ne, %shift_right_arithmetic3A_206, %shift_right_arithmetic3A_209 : vector<16xi32>
      %shift_right_arithmetic3A_211 = arith.constant 18 : i32
      %shift_right_arithmetic3A_212 = vector.broadcast %shift_right_arithmetic3A_211 : i32 to vector<16xi32>
      %shift_right_arithmetic3A_213 = arith.shrsi %masked_sort3A_195, %shift_right_arithmetic3A_212 : vector<16xi32>
      tpu.vector_store_idx %arg8[%shift_right_arithmetic3A_213], %masked_sort3A_194 masked %ne3A_210 : memref<5120xi32, #tpu.memory_space<vmem>>[vector<16xi32>], vector<16xi32>, vector<16xi1>
      %shift_left3A_214 = arith.constant 18 : i32
      %shift_left3A_215 = vector.broadcast %shift_left3A_214 : i32 to vector<16xi32>
      %shift_left3A_216 = arith.shli %get3A_180, %shift_left3A_215 : vector<16xi32>
      %or3A_217 = arith.ori %shift_left3A_216, %add3A_183 : vector<16xi32>
      %masked_sort3A_218 = arith.constant dense<true> : vector<16xi1>
      %masked_sort3A_219 = arith.constant -2147483648 : i32
      %masked_sort3A_220 = vector.broadcast %masked_sort3A_219 : i32 to vector<16xi32>
      %masked_sort3A_221 = arith.xori %or3A_217, %masked_sort3A_220 : vector<16xi32>
      %masked_sort3A_222, %masked_sort3A_223, %masked_sort3A_224 = tpu.sort %masked_sort3A_221, %add3A_183 masked %masked_sort3A_218 : (vector<16xi32>, vector<16xi32>, vector<16xi1>) -> (vector<16xi1>, vector<16xi32>, vector<16xi32>)
      %masked_sort3A_225 = arith.xori %masked_sort3A_223, %masked_sort3A_220 : vector<16xi32>
      %swap3A_226 = arith.constant 3 : i32
      %swap3A_227 = arith.index_cast %swap3A_226 : i32 to index
      %swap3A_228 = arith.constant 0 : index
      %swap3A_229 = tpu.vector_load %arg10[%swap3A_227, %swap3A_228] {strides = array<i32>} : memref<4x32xi32, #tpu.memory_space<vmem>>, vector<16xi32>,
      tpu.vector_store %arg10[%swap3A_227, %swap3A_228], %masked_sort3A_225 {strides = array<i32>} : memref<4x32xi32, #tpu.memory_space<vmem>>, vector<16xi32>,
      %get3A_230 = arith.constant 3 : i32
      %get3A_231 = arith.index_cast %get3A_230 : i32 to index
      %get3A_232 = arith.constant 1 : index
      %get3A_233 = tpu.vector_load %arg10[%get3A_231, %get3A_232] {strides = array<i32>} : memref<4x32xi32, #tpu.memory_space<vmem>>, vector<16xi32>,
      %shift_right_arithmetic3A_234 = arith.constant 18 : i32
      %shift_right_arithmetic3A_235 = vector.broadcast %shift_right_arithmetic3A_234 : i32 to vector<16xi32>
      %shift_right_arithmetic3A_236 = arith.shrsi %masked_sort3A_225, %shift_right_arithmetic3A_235 : vector<16xi32>
      %shift_right_arithmetic3A_237 = arith.constant 18 : i32
      %shift_right_arithmetic3A_238 = vector.broadcast %shift_right_arithmetic3A_237 : i32 to vector<16xi32>
      %shift_right_arithmetic3A_239 = arith.shrsi %get3A_233, %shift_right_arithmetic3A_238 : vector<16xi32>
      %ne3A_240 = arith.cmpi ne, %shift_right_arithmetic3A_236, %shift_right_arithmetic3A_239 : vector<16xi32>
      %shift_right_arithmetic3A_241 = arith.constant 18 : i32
      %shift_right_arithmetic3A_242 = vector.broadcast %shift_right_arithmetic3A_241 : i32 to vector<16xi32>
      %shift_right_arithmetic3A_243 = arith.shrsi %masked_sort3A_225, %shift_right_arithmetic3A_242 : vector<16xi32>
      tpu.vector_store_idx %arg9[%shift_right_arithmetic3A_243], %masked_sort3A_224 masked %ne3A_240 : memref<5120xi32, #tpu.memory_space<vmem>>[vector<16xi32>], vector<16xi32>, vector<16xi1>
    }
    %scan3A_27 = arith.constant 156 : i32
    %lt3A = arith.constant 8 : i32
    %lt3A_28 = vector.broadcast %lt3A : i32 to vector<16xi32>
    %lt3A_29 = arith.cmpi slt, %iota3A, %lt3A_28 : vector<16xi32>
    %get3A = arith.constant 4992 : index
    %get3A_30 = tpu.vector_load %arg6[%get3A] {strides = array<i32>} : memref<5016xi32, #tpu.memory_space<vmem>>, vector<16xi32>,
    %get3A_31 = arith.constant 4992 : index
    %get3A_32 = tpu.vector_load %arg7[%get3A_31] {strides = array<i32>} : memref<5016xi32, #tpu.memory_space<vmem>>, vector<16xi32>,
    %add3A_33 = arith.constant 4992 : i32
    %add3A_34 = arith.addi %mul3A_2, %add3A_33 : i32
    %add3A_35 = vector.broadcast %add3A_34 : i32 to vector<16xi32>
    %add3A_36 = arith.addi %add3A_35, %iota3A : vector<16xi32>
    %jit3A = arith.constant 5119 : i32
    %broadcast_in_dim3A_37 = vector.broadcast %jit3A : i32 to vector<16xi32>
    %select_n3A = arith.select %lt3A_29, %get3A_30, %broadcast_in_dim3A_37 : vector<16xi1>, vector<16xi32>
    %jit3A_38 = arith.constant 5119 : i32
    %broadcast_in_dim3A_39 = vector.broadcast %jit3A_38 : i32 to vector<16xi32>
    %select_n3A_40 = arith.select %lt3A_29, %get3A_32, %broadcast_in_dim3A_39 : vector<16xi1>, vector<16xi32>
    %jit3A_41 = arith.constant 0 : i32
    %broadcast_in_dim3A_42 = vector.broadcast %jit3A_41 : i32 to vector<16xi32>
    %select_n3A_43 = arith.select %lt3A_29, %add3A_36, %broadcast_in_dim3A_42 : vector<16xi1>, vector<16xi32>
    %shift_left3A = arith.constant 18 : i32
    %shift_left3A_44 = vector.broadcast %shift_left3A : i32 to vector<16xi32>
    %shift_left3A_45 = arith.shli %select_n3A, %shift_left3A_44 : vector<16xi32>
    %or3A = arith.ori %shift_left3A_45, %select_n3A_43 : vector<16xi32>
    %masked_sort3A = arith.constant dense<true> : vector<16xi1>
    %masked_sort3A_46 = arith.constant -2147483648 : i32
    %masked_sort3A_47 = vector.broadcast %masked_sort3A_46 : i32 to vector<16xi32>
    %masked_sort3A_48 = arith.xori %or3A, %masked_sort3A_47 : vector<16xi32>
    %masked_sort3A_49, %masked_sort3A_50, %masked_sort3A_51 = tpu.sort %masked_sort3A_48, %select_n3A_43 masked %masked_sort3A : (vector<16xi32>, vector<16xi32>, vector<16xi1>) -> (vector<16xi1>, vector<16xi32>, vector<16xi32>)
    %masked_sort3A_52 = arith.xori %masked_sort3A_50, %masked_sort3A_47 : vector<16xi32>
    %swap3A_53 = arith.constant 2 : i32
    %swap3A_54 = arith.index_cast %swap3A_53 : i32 to index
    %swap3A_55 = arith.constant 0 : index
    %swap3A_56 = tpu.vector_load %arg10[%swap3A_54, %swap3A_55] {strides = array<i32>} : memref<4x32xi32, #tpu.memory_space<vmem>>, vector<16xi32>,
    tpu.vector_store %arg10[%swap3A_54, %swap3A_55], %masked_sort3A_52 {strides = array<i32>} : memref<4x32xi32, #tpu.memory_space<vmem>>, vector<16xi32>,
    %get3A_57 = arith.constant 2 : i32
    %get3A_58 = arith.index_cast %get3A_57 : i32 to index
    %get3A_59 = arith.constant 1 : index
    %get3A_60 = tpu.vector_load %arg10[%get3A_58, %get3A_59] {strides = array<i32>} : memref<4x32xi32, #tpu.memory_space<vmem>>, vector<16xi32>,
    %shift_right_arithmetic3A = arith.constant 18 : i32
    %shift_right_arithmetic3A_61 = vector.broadcast %shift_right_arithmetic3A : i32 to vector<16xi32>
    %shift_right_arithmetic3A_62 = arith.shrsi %masked_sort3A_52, %shift_right_arithmetic3A_61 : vector<16xi32>
    %shift_right_arithmetic3A_63 = arith.constant 18 : i32
    %shift_right_arithmetic3A_64 = vector.broadcast %shift_right_arithmetic3A_63 : i32 to vector<16xi32>
    %shift_right_arithmetic3A_65 = arith.shrsi %get3A_60, %shift_right_arithmetic3A_64 : vector<16xi32>
    %ne3A = arith.cmpi ne, %shift_right_arithmetic3A_62, %shift_right_arithmetic3A_65 : vector<16xi32>
    %shift_right_arithmetic3A_66 = arith.constant 18 : i32
    %shift_right_arithmetic3A_67 = vector.broadcast %shift_right_arithmetic3A_66 : i32 to vector<16xi32>
    %shift_right_arithmetic3A_68 = arith.shrsi %masked_sort3A_52, %shift_right_arithmetic3A_67 : vector<16xi32>
    tpu.vector_store_idx %arg8[%shift_right_arithmetic3A_68], %masked_sort3A_51 masked %ne3A : memref<5120xi32, #tpu.memory_space<vmem>>[vector<16xi32>], vector<16xi32>, vector<16xi1>
    %shift_left3A_69 = arith.constant 18 : i32
    %shift_left3A_70 = vector.broadcast %shift_left3A_69 : i32 to vector<16xi32>
    %shift_left3A_71 = arith.shli %select_n3A_40, %shift_left3A_70 : vector<16xi32>
    %or3A_72 = arith.ori %shift_left3A_71, %select_n3A_43 : vector<16xi32>
    %masked_sort3A_73 = arith.constant dense<true> : vector<16xi1>
    %masked_sort3A_74 = arith.constant -2147483648 : i32
    %masked_sort3A_75 = vector.broadcast %masked_sort3A_74 : i32 to vector<16xi32>
    %masked_sort3A_76 = arith.xori %or3A_72, %masked_sort3A_75 : vector<16xi32>
    %masked_sort3A_77, %masked_sort3A_78, %masked_sort3A_79 = tpu.sort %masked_sort3A_76, %select_n3A_43 masked %masked_sort3A_73 : (vector<16xi32>, vector<16xi32>, vector<16xi1>) -> (vector<16xi1>, vector<16xi32>, vector<16xi32>)
    %masked_sort3A_80 = arith.xori %masked_sort3A_78, %masked_sort3A_75 : vector<16xi32>
    %swap3A_81 = arith.constant 3 : i32
    %swap3A_82 = arith.index_cast %swap3A_81 : i32 to index
    %swap3A_83 = arith.constant 0 : index
    %swap3A_84 = tpu.vector_load %arg10[%swap3A_82, %swap3A_83] {strides = array<i32>} : memref<4x32xi32, #tpu.memory_space<vmem>>, vector<16xi32>,
    tpu.vector_store %arg10[%swap3A_82, %swap3A_83], %masked_sort3A_80 {strides = array<i32>} : memref<4x32xi32, #tpu.memory_space<vmem>>, vector<16xi32>,
    %get3A_85 = arith.constant 3 : i32
    %get3A_86 = arith.index_cast %get3A_85 : i32 to index
    %get3A_87 = arith.constant 1 : index
    %get3A_88 = tpu.vector_load %arg10[%get3A_86, %get3A_87] {strides = array<i32>} : memref<4x32xi32, #tpu.memory_space<vmem>>, vector<16xi32>,
    %shift_right_arithmetic3A_89 = arith.constant 18 : i32
    %shift_right_arithmetic3A_90 = vector.broadcast %shift_right_arithmetic3A_89 : i32 to vector<16xi32>
    %shift_right_arithmetic3A_91 = arith.shrsi %masked_sort3A_80, %shift_right_arithmetic3A_90 : vector<16xi32>
    %shift_right_arithmetic3A_92 = arith.constant 18 : i32
    %shift_right_arithmetic3A_93 = vector.broadcast %shift_right_arithmetic3A_92 : i32 to vector<16xi32>
    %shift_right_arithmetic3A_94 = arith.shrsi %get3A_88, %shift_right_arithmetic3A_93 : vector<16xi32>
    %ne3A_95 = arith.cmpi ne, %shift_right_arithmetic3A_91, %shift_right_arithmetic3A_94 : vector<16xi32>
    %shift_right_arithmetic3A_96 = arith.constant 18 : i32
    %shift_right_arithmetic3A_97 = vector.broadcast %shift_right_arithmetic3A_96 : i32 to vector<16xi32>
    %shift_right_arithmetic3A_98 = arith.shrsi %masked_sort3A_80, %shift_right_arithmetic3A_97 : vector<16xi32>
    tpu.vector_store_idx %arg9[%shift_right_arithmetic3A_98], %masked_sort3A_79 masked %ne3A_95 : memref<5120xi32, #tpu.memory_space<vmem>>[vector<16xi32>], vector<16xi32>, vector<16xi1>
    %mul3A_99 = arith.constant 5120 : i32
    %mul3A_100 = arith.muli %add3A, %mul3A_99 : i32
    "tpu.region"() ({
      %run_scoped3A = tpu.sem_alloc : memref<!tpu.dma_semaphore, #tpu.memory_space<semaphore_mem>>
      %dma_start3A = tpu.memref_slice %arg4[%mul3A_100] : memref<163840xi32, #tpu.memory_space<hbm>> -> memref<5120xi32, #tpu.memory_space<hbm>>
      %dma_start3A_103 = tpu.memref_slice %arg4[%mul3A_100] : memref<163840xi32, #tpu.memory_space<hbm>> -> memref<5120xi32, #tpu.memory_space<hbm>>
      tpu.enqueue_dma source(%arg8 : memref<5120xi32, #tpu.memory_space<vmem>>) target(%dma_start3A_103 : memref<5120xi32, #tpu.memory_space<hbm>>) target_semaphore(%run_scoped3A : memref<!tpu.dma_semaphore, #tpu.memory_space<semaphore_mem>>)
      %dma_wait3A = tpu.memref_slice %arg4[%mul3A_100] : memref<163840xi32, #tpu.memory_space<hbm>> -> memref<5120xi32, #tpu.memory_space<hbm>>
      %dma_wait3A_104 = tpu.memref_slice %arg4[%mul3A_100] : memref<163840xi32, #tpu.memory_space<hbm>> -> memref<5120xi32, #tpu.memory_space<hbm>>
      tpu.wait_dma2 semaphore(%run_scoped3A : memref<!tpu.dma_semaphore, #tpu.memory_space<semaphore_mem>>) src(%arg8 : memref<5120xi32, #tpu.memory_space<vmem>>) dst(%dma_wait3A_104 : memref<5120xi32, #tpu.memory_space<hbm>>)
      tpu.yield
    }) : () -> ()
    %mul3A_101 = arith.constant 5120 : i32
    %mul3A_102 = arith.muli %add3A, %mul3A_101 : i32
    "tpu.region"() ({
      %run_scoped3A = tpu.sem_alloc : memref<!tpu.dma_semaphore, #tpu.memory_space<semaphore_mem>>
      %dma_start3A = tpu.memref_slice %arg5[%mul3A_102] : memref<163840xi32, #tpu.memory_space<hbm>> -> memref<5120xi32, #tpu.memory_space<hbm>>
      %dma_start3A_103 = tpu.memref_slice %arg5[%mul3A_102] : memref<163840xi32, #tpu.memory_space<hbm>> -> memref<5120xi32, #tpu.memory_space<hbm>>
      tpu.enqueue_dma source(%arg9 : memref<5120xi32, #tpu.memory_space<vmem>>) target(%dma_start3A_103 : memref<5120xi32, #tpu.memory_space<hbm>>) target_semaphore(%run_scoped3A : memref<!tpu.dma_semaphore, #tpu.memory_space<semaphore_mem>>)
      %dma_wait3A = tpu.memref_slice %arg5[%mul3A_102] : memref<163840xi32, #tpu.memory_space<hbm>> -> memref<5120xi32, #tpu.memory_space<hbm>>
      %dma_wait3A_104 = tpu.memref_slice %arg5[%mul3A_102] : memref<163840xi32, #tpu.memory_space<hbm>> -> memref<5120xi32, #tpu.memory_space<hbm>>
      tpu.wait_dma2 semaphore(%run_scoped3A : memref<!tpu.dma_semaphore, #tpu.memory_space<semaphore_mem>>) src(%arg9 : memref<5120xi32, #tpu.memory_space<vmem>>) dst(%dma_wait3A_104 : memref<5120xi32, #tpu.memory_space<hbm>>)
      tpu.yield
    }) : () -> ()
    return
  }
}

</mosaic_0001>

<sc_bundles>
// kernel: _sc_scatter.3.cloned.1.call-start
scs
__scs_entry_jumppad:
0x0: {  	(pc) =	sbr.rel $0x88, $3  }
0x1: {  	(tag) =	ssettag $0x0;
	lr =	simm.s32 $0x1  }
0x2: {  	[smem:$0x3F9F] =	sst lr;
	_ =	strace $0xD0000000  }
0x3: {  	_ = 	snop  }
0x4: {  	_ = 	snop  }
0x5: {  	_ = 	snop  }
0x6: {  	_ = 	snop  }
0x7: {  	_ = 	snop  }
__scs_overlays_trampoline_lowered:
0x8: {  	[smem:$0x3FAE] =	sst s0  }
0x9: {  	[smem:$0x3FAF] =	sst s1  }
0xa: {  	[smem:$0x3FB0] =	sst s2  }
0xb: {  	[smem:$0x3FB1] =	sst s3  }
0xc: {  	[smem:$0x3FB2] =	sst s4  }
0xd: {  	[smem:$0x3FB3] =	sst s5  }
0xe: {  	[smem:$0x3FB4] =	sst s6  }
0xf: {  	[smem:$0x3FB5] =	sst s7  }
0x10: {  	[smem:$0x3FB6] =	sst s8  }
0x11: {  	[smem:$0x3FB7] =	sst s9;
	s0 =	simm.s32 @!p0 $0x0  }
0x12: {  	s1 =	sld [smem:$0x3F9D];
	s0 =	simm.s32 @p0 $0x1  }
0x13: {  	[smem:$0x3FB8] =	sst s0;
	s0 =	simm.s32 @!p1 $0x0  }
0x14: {  	s2 =	sld [smem:$0x3F9C];
	s0 =	simm.s32 @p1 $0x1  }
0x15: {  	[smem:$0x3FB9] =	sst s0;
	s0 =	simm.s32 @!p2 $0x0  }
0x16: {  	s3 =	sld [smem:$0x3FDB];
	s0 =	simm.s32 @p2 $0x1  }
0x17: {  	s4 =	simm.s32 $0x1BF5;
	[smem:$0x3FBB] =	sst s0  }
0x18: {  	s0 =	sld [smem:$0x3F9E];
	_ =	swait.ge [sflag:s4], $0x0  }
0x19: {  	s7 =	sld [smem:$0x3F9F]  }
0x1a: {  	s8 =	sadd.s32 $0xFFFFE003, lr  }
0x1b: {  	s9 =	sadd.s32 $0xFFFFFEF7, lr;
	s5 =	simm.s32 $0xFFFFFFFF;
	p2 =	slt.u32 s8, $0xFFFFF086  }
0x1c: {  	p1 =	slt.u32 s9, $0xF7A;
	s5 =	simm.s32 @!p2 $0x0  }
0x1d: {  	s5 =	simm.s32 @p1 $0x1;
	p0 =	seq.s32 s7, s2  }
0x1e: {  	s7 =	smul.u32 @!p0 $0xF7A, s2;
	p2 =	seq.s32 @!p0 s5, $0x0  }
0x1f: {  	s9 =	smul.u32 $0xF7A, s1;
	s8 =	simm.s32 @!p0 $0x1BF5;
	p2 =	por !p2, p0  }
0x20: {  	[sflag:s8] =	ssyncset.s32 @!p0 $0xFFFFF086;
	s6 =	sadd.s32 @!p0 s3, s7;
	s7 =	simm.s32 @!p0 $0x108  }
0x21: {  	s3 =	sadd.s32 s3, s9;
	s6 =	sadd.s32 @!p0 $0x88, s6;
	s7 =	simm.s32 @p2 $0x1082  }
0x22: {  	[simem:s7], [sflag:s8] =	dma.local @!p0 [hbm:s6], $0xF7A  }
0x23: {  	s9 =	sor.u32 $0xD0000000, s2;
	s6 =	simm.s32 $0x108;
	_ =	swait.ge @!p0 [sflag:s8], $0x0  }
0x24: {  	s3 =	sadd.s32 $0x88, s3;
	s6 =	simm.s32 @!p1 $0x1082;
	[sflag:s4] =	ssyncset.s32 $0xFFFFF086  }
0x25: {  	[simem:s6], [sflag:s4] =	dma.local [hbm:s3], $0xF7A  }
0x26: {  	[smem:$0x3F9F] =	sst s1;
	(tag) =	ssettag s2;
	_ =	strace s9  }
0x27: {  	s1 =	sld [smem:$0x3FAF]  }
0x28: {  	s2 =	sld [smem:$0x3FB0]  }
0x29: {  	s4 =	sld [smem:$0x3FB2]  }
0x2a: {  	p0 =	seq.s32 s5, $0x0;
	s5 =	sld [smem:$0x3FB3]  }
0x2b: {  	s6 =	sld [smem:$0x3FB4]  }
0x2c: {  	s7 =	sld [smem:$0x3FB5]  }
0x2d: {  	s3 =	simm.s32 $0x108;
	s8 =	sld [smem:$0x3FB6]  }
0x2e: {  	s3 =	simm.s32 @!p0 $0x1082;
	s9 =	sld [smem:$0x3FB7]  }
0x2f: {  	lr =	sadd.s32 s0, s3;
	s0 =	sld [smem:$0x3FAE]  }
0x30: {  	s3 =	sld [smem:$0x3FB1]  }
0x31: {  	[smem:$0x3FBA] =	sst s10  }
0x32: {  	s10 =	sld [smem:$0x3FB8];
	_ =	sdelay $0x3  }
0x33: {  	p0 =	seq.s32 s10, $0x1;
	s10 =	sld [smem:$0x3FBA];
	_ =	sdelay $0x3  }
0x34: {  	[smem:$0x3FBA] =	sst s10  }
0x35: {  	s10 =	sld [smem:$0x3FB9];
	_ =	sdelay $0x3  }
0x36: {  	p1 =	seq.s32 s10, $0x1;
	s10 =	sld [smem:$0x3FBA];
	_ =	sdelay $0x3  }
0x37: {  	[smem:$0x3FBA] =	sst s10  }
0x38: {  	s10 =	sld [smem:$0x3FBB]  }
0x39: {  	_ = 	snop;
	(pc) =	sbr.ind lr, $3  }
0x3a: {  	_ = 	snop  }
0x3b: {  	_ = 	snop  }
0x3c: {  	p2 =	seq.s32 s10, $0x1;
	s10 =	sld [smem:$0x3FBA]  }
0x3d: {  	_ =	shalt  }
0x3e: {  	_ =	shalt  }
0x3f: {  	_ =	shalt  }
0x40: {  	_ =	shalt  }
0x41: {  	_ =	shalt  }
0x42: {  	_ =	shalt  }
0x43: {  	_ =	shalt  }
0x44: {  	_ =	shalt  }
0x45: {  	_ =	shalt  }
0x46: {  	_ =	shalt  }
0x47: {  	_ =	shalt  }
0x48: {  	_ =	shalt  }
0x49: {  	_ =	shalt  }
0x4a: {  	_ =	shalt  }
0x4b: {  	_ =	shalt  }
0x4c: {  	_ =	shalt  }
0x4d: {  	_ =	shalt  }
0x4e: {  	_ =	shalt  }
0x4f: {  	_ =	shalt  }
0x50: {  	_ =	shalt  }
0x51: {  	_ =	shalt  }
0x52: {  	_ =	shalt  }
0x53: {  	_ =	shalt  }
0x54: {  	_ =	shalt  }
0x55: {  	_ =	shalt  }
0x56: {  	_ =	shalt  }
0x57: {  	_ =	shalt  }
0x58: {  	_ =	shalt  }
0x59: {  	_ =	shalt  }
0x5a: {  	_ =	shalt  }
0x5b: {  	_ =	shalt  }
0x5c: {  	_ =	shalt  }
0x5d: {  	_ =	shalt  }
0x5e: {  	_ =	shalt  }
0x5f: {  	_ =	shalt  }
0x60: {  	_ =	shalt  }
0x61: {  	_ =	shalt  }
0x62: {  	_ =	shalt  }
0x63: {  	_ =	shalt  }
0x64: {  	_ =	shalt  }
0x65: {  	_ =	shalt  }
0x66: {  	_ =	shalt  }
0x67: {  	_ =	shalt  }
0x68: {  	_ =	shalt  }
0x69: {  	_ =	shalt  }
0x6a: {  	_ =	shalt  }
0x6b: {  	_ =	shalt  }
0x6c: {  	_ =	shalt  }
0x6d: {  	_ =	shalt  }
0x6e: {  	_ =	shalt  }
0x6f: {  	_ =	shalt  }
0x70: {  	_ =	shalt  }
0x71: {  	_ =	shalt  }
0x72: {  	_ =	shalt  }
0x73: {  	_ =	shalt  }
0x74: {  	_ =	shalt  }
0x75: {  	_ =	shalt  }
0x76: {  	_ =	shalt  }
0x77: {  	_ =	shalt  }
0x78: {  	_ =	shalt  }
0x79: {  	_ =	shalt  }
0x7a: {  	_ =	shalt  }
0x7b: {  	_ =	shalt  }
0x7c: {  	_ =	shalt  }
0x7d: {  	_ =	shalt  }
0x7e: {  	_ =	shalt  }
0x7f: {  	_ =	shalt  }
0x80: {  	_ =	shalt  }
0x81: {  	_ =	shalt  }
0x82: {  	_ =	shalt  }
0x83: {  	_ =	shalt  }
0x84: {  	_ =	shalt  }
0x85: {  	_ =	shalt  }
0x86: {  	_ =	shalt  }
0x87: {  	_ =	shalt  }
.Lfunc_end0:
.L_simem_size_0:
called_computation_lowered:
.L_overlay_start_0:
0x88: {  	s2 =	sld [smem:$0x3FD9]  }
0x89: {  	s3 =	sld [smem:$0x3FFE];
	_ =	sdelay $0x1  }
0x8a: {  	s1 =	srdreg.scid  }
0x8b: {  	s0 =	sand.u32 $0x1, s1  }
0x8c: {  	s15 =	sshll.u32 s0, $0xA;
	s2 =	sadd.s32 s3, s2  }
0x8d: {  	s2 =	sadd.s32 s2, s15  }
0x8e: {  	[smem:$0x3FC6] =	sst s2  }
0x8f: {  	_ = 	snop  }
0x90: {  	s2 =	sld [smem:$0x3FD0];
	_ =	sdelay $0x1  }
0x91: {  	s16 =	sld [smem:$0x3FC9]  }
0x92: {  	s5 =	simm.s32 $0xA;
	s6 =	simm.s32 $0x10;
	s4 =	sld [smem:$0x3FC8]  }
0x93: {  	[smem:s6], [sflag:s5] =	dma.local [hbm:s2], $0x1  }
0x94: {  	_ =	swait.eq [sflag:s5], $0x1  }
0x95: {  	[sflag:s5] =	ssyncset.done $0x0  }
0x96: {  	s17 =	sld [smem:$0x10];
	[sflag:s5] =	ssyncadd.s32 $0xFFFFFFFF  }
0x97: {  	s18 =	sld [smem:$0x11];
	(tm) =	ssettm $0x1  }
0x98: {  	s19 =	sld [smem:$0x3FFB];
	_ =	sdelay $0x3  }
0x99: {  	_ =	strace s19  }
0x9a: {  	s6 =	sld [smem:$0x3FFC];
	_ =	sdelay $0x3  }
0x9b: {  	_ =	strace s6  }
0x9c: {  	s6 =	sld [smem:$0x3FFD];
	_ =	sdelay $0x3  }
0x9d: {  	_ =	strace s6  }
0x9e: {  	_ =	strace $0x8FFFFFFF  }
0x9f: {  	s20 =	sld [smem:$0x3FDB];
	_ =	sdelay $0x1  }
0xa0: {  	s7 =	simm.s32 $_scs_section_size  }
0xa1: {  	s8 =	simm.s32 $_size__tile_overlayer_lowered;
	s9 =	simm.s32 $_tile_overlayer_lowered  }
0xa2: {  	s23 =	simm.s32 $0x1BFF;
	s22 =	sshll.u32 s9, $0x1;
	s6 =	sadd.s32 s7, s20  }
0xa3: {  	s10 =	simm.s32 $0x0;
	s21 =	sshll.u32 s8, $0x1;
	s8 =	sadd.s32 s22, s6  }
0xa4: {  	[timem:s10], [sflag:s23] =	dma.local [hbm:s8], s21  }
0xa5: {  	_ =	swait.ge [sflag:s23], s21  }
0xa6: {  	s7 =	ssub.s32 $0x0, s21;
	[sflag:s23] =	ssyncset.done $0x0  }
0xa7: {  	[sflag:s23] =	ssyncadd.s32 s7;
	_ =	sdelay $0x1  }
0xa8: {  	s24 =	simm.s32 $0x1B8B  }
0xa9: {  	_ =	swait.ge [sflag:s24], $0x1  }
0xaa: {  	[sflag:s24] =	ssyncset.done $0x0  }
0xab: {  	s25 =	simm.s32 $0x1B8E;
	[sflag:s24] =	ssyncadd.s32 $0xFFFFFFFF  }
0xac: {  	s26 =	simm.s32 $execute0_lowered;
	[smem:$0x3FD2] =	sst s25  }
0xad: {  	s7 =	sshll.u32 s26, $0x1;
	_ =	strace $0x80000046;
	[dreg:$0x1] =	wrdreg $0xFFFFFFFF  }
0xae: {  	s28 =	simm.s32 $_size_execute0_lowered;
	s6 =	sadd.s32 s6, s7;
	[dreg:$0x0] =	wrdreg $0x0  }
0xaf: {  	s7 =	sshll.u32 s28, $0x1;
	[dreg:$0x2] =	wrdreg s6  }
0xb0: {  	[dreg:$0x3] =	wrdreg s7  }
0xb1: {  	[dreg:$0x4] =	wrdreg $0xC0  }
0xb2: {  	_ =	task [dreg:s10], $0x5FFFF  }
0xb3: {  	[dreg:$0x1] =	wrdreg $0xFFFFFFFF  }
0xb4: {  	[dreg:$0x0] =	wrdreg $0x60  }
0xb5: {  	[dreg:$0x2] =	wrdreg s16  }
0xb6: {  	[dreg:$0x3] =	wrdreg s4  }
0xb7: {  	[dreg:$0x4] =	wrdreg s17  }
0xb8: {  	[dreg:$0x5] =	wrdreg s18  }
0xb9: {  	[dreg:$0x6] =	wrdreg $0x9  }
0xba: {  	_ =	task.clear_ibuf [dreg:s10], $0x7FFFF;
	_ =	strace $0x90000046  }
0xbb: {  	s29 =	simm.s32 $0x9;
	_ =	strace $0x80000048  }
0xbc: {  	_ =	swait.ge [sflag:s29], $0x1  }
0xbd: {  	[sflag:s29] =	ssyncadd.s32 $0xFFFFFFFF  }
0xbe: {  	_ =	strace $0x90000048  }
0xbf: {  	_ =	sfence  }
0xc0: {  	s30 =	sld [smem:$0x0];
	_ =	sdelay $0x2  }
0xc1: {  	s31 =	sshll.u32 s1, $0xD;
	s1 =	sshrl.u32 s1, $0x2  }
0xc2: {  	s3 =	sand.u32 $0x4000, s31;
	s1 =	sadd.s32 s1, s30  }
0xc3: {  	s0 =	sor.u32 s3, s0;
	s1 =	sshll.u32 s1, $0x11  }
0xc4: {  	s0 =	sor.u32 s1, s0  }
0xc5: {  	s0 =	sadd.s32 $0x8F2B, s0  }
0xc6: {  	[sflag:s0] =	ssyncadd.remote.s32 $0x1  }
0xc7: {  	_ =	sfence.sel $0xFFFF  }
0xc8: {  	[dreg:$0x0] =	wrdreg $0xFFFFFFFF;
	(pc) =	sbr.abs _section_cstart, $3  }
0xc9: {  	[dreg:$0x1] =	wrdreg $0xFFFFFFFF  }
0xca: {  	_ =	task.clear_ibuf [dreg:s10], $0x2FFFF;
	_ =	strace $0x9FFFFFFF  }
0xcb: {  	(tm) =	ssettm $0x7FFFFFFF  }
tec
execute0_lowered:
.L_overlay_start_1:
0x0: {  	(tag) =	ssettag $0x1  }
0x1: {  	s3 =	rddreg [dreg:$0x0]  }
0x2: {  	s4 =	rddreg [dreg:$0x1]  }
0x3: {  	s5 =	rddreg [dreg:$0x2];
	s1 =	srdreg.scid  }
0x4: {  	s0 =	stileid.u32;
	s6 =	rddreg [dreg:$0x3]  }
0x5: {  	s2 =	simm.s32 $0x0;
	s13 =	simm.s32 $0x0;
	s7 =	sand.u32 $0x1, s1  }
0x6: {  	s8 =	sshll.u32 s0, $0x1;
	s1 =	rddreg [dreg:$0x4];
	s30 =	smul.u32 $0x2710, s0  }
0x7: {  	s8 =	sor.u32 s7, s8;
	s10 =	ssub.s32 $0x2, s7;
	s31 =	smul.u32 $0x1388, s7  }
0x8: {  	[smem:$0x7FF] =	sst s2;
	s9 =	smul.u32 $0x1388, s8;
	s11 =	sshrl.u32 s10, $0x1  }
0x9: {  	_ =	strace $0x80000047;
	s8 =	smul.u32 $0x280, s8;
	s10 =	ssub.s32 s10, s11  }
0xa: {  	s11 =	simm.s32 $0x2730;
	s12 =	sshrl.u32 s9, $0x3;
	s9 =	sadd.s32 $0x1380, s9  }
0xb: {  	v0 =	vlaneseq.u32;
	s5 =	sadd.s32 s5, s8;
	s6 =	sadd.s32 s6, s8;
	s7 =	smax.u32 s10, $0x1  }
0xc: {  	vm0 =	vmmov $0xff;
	s8 =	sadd.s32 s31, s30;
	s10 =	simm.s32 $0x1398;
	s3 =	sadd.s32 s3, s12;
	v1 =	vor.u32 s9, v0  }
0xd: {  	v2 =	vimm.s32 $0xFFFFFFFF;
	s4 =	sadd.s32 s4, s12;
	s9 =	simm.s32 $0x1;
	s12 =	simm.s32 $0x3B30;
	v1 =	vnsel vm0, $0x0, v1  }
.LBB2_1:
0xe: {  	[tilespmem:s2], [sflag:$0x1] =	stream.linear.gather [hbm4b:s3+s2], $0x1388, $0x38;
	[tilespmem:$0x4FB0] =	vst v63  }
0xf: {  	_ =	swait.ge [sflag:s9], $0x1388  }
0x10: {  	[sflag:s9] =	ssyncset.done $0x0  }
0x11: {  	[sflag:s9] =	ssyncadd.s32 $0xFFFFEC78  }
0x12: {  	[tilespmem:s10], [sflag:$0x1] =	stream.linear.gather [hbm4b:s4+s2], $0x1388, $0x38;
	[tilespmem:$0x4FB0] =	vst v63  }
0x13: {  	_ =	swait.ge [sflag:s9], $0x1388  }
0x14: {  	[sflag:s9] =	ssyncset.done $0x0  }
0x15: {  	s14 =	simm.s32 $0x40;
	s15 =	simm.s32 $0x0;
	[sflag:s9] =	ssyncadd.s32 $0xFFFFEC78  }
.LBB2_2:
0x16: {  	p0 =	sne.s32 s14, $0x4FC0;
	[tilespmem:s15+$0x2730] =	vst v2;
	s16 =	smov.u32 s14;
	s14 =	sadd.s32 $0x40, s14  }
.Ltmp0:
0x17: {  	[tilespmem:s15+$0x3B30] =	vst v2;
	(pc) =	sbr.rel @p0 .LBB2_2-.Ltmp0, $2  }
0x18: {  	_ =	sdelay $0x2  }
0x19: {  	s15 =	sshra.s32 s16, $0x2  }
0x1a: {  	[tilespmem:s15+$0x2730] =	vst v2  }
0x1b: {  	[tilespmem:s15+$0x3B30] =	vst v2  }
0x1c: {  	[tilespmem:$0x4F40] =	vst v2  }
0x1d: {  	[tilespmem:$0x4F60] =	vst v2  }
0x1e: {  	[tilespmem:$0x4F80] =	vst v2  }
0x1f: {  	s14 =	simm.s32 $0x0;
	s15 =	smov.u32 s8;
	[tilespmem:$0x4FA0] =	vst v2  }
.LBB2_4:
0x20: {  	s16 =	sshra.s32 s14, $0x2  }
0x21: {  	v3 =	vld [tilespmem:s16+$0x0];
	_ =	sdelay $0x4  }
0x22: {  	v4 =	vadd.s32 s15, v0;
	v3 =	vshll.u32 v3, $0x12  }
0x23: {  	v3 =	vor.u32 v4, v3  }
0x24: {  	v3 =	vxor.u32 $0x80000000, v3  }
0x25: {  	(xrf1) =	vsort.ascd.msk.u32 $0xffff, v3, v4;
	_ =	sdelay $0x5  }
0x26: {  	v3 =	vld [tilespmem:s16+$0x1398];
	_ =	sdelay $0x4  }
0x27: {  	v3 =	vshll.u32 v3, $0x12  }
0x28: {  	v3 =	vor.u32 v4, v3  }
0x29: {  	v3 =	vxor.u32 $0x80000000, v3  }
0x2a: {  	v5, v6, _ =	vpop (xrf1);
	(xrf1) =	vsort.ascd.msk.u32 $0xffff, v3, v4  }
0x2b: {  	v3 =	vxor.u32 $0x80000000, v5  }
0x2c: {  	[tilespmem:$0x4F30] =	vst v3  }
0x2d: {  	v53 =	vld [tilespmem:$0x4F31];
	_ =	sdelay $0x4  }
0x2e: {  	v3 =	vshra.s32 v3, $0x12;
	v4 =	vshra.s32 v53, $0x12  }
0x2f: {  	vm1 =	vne.s32 v3, v4;
	_ =	sdelay $0x4  }
0x30: {  	v55, v54, _ =	vpop (xrf1)  }
0x31: {  	[tilespmem:v3+s11+$0x0] =	vst.idx.msk vm1, v6;
	v3 =	vxor.u32 $0x80000000, v55  }
0x32: {  	[tilespmem:$0x4F50] =	vst v3  }
0x33: {  	v56 =	vld [tilespmem:$0x4F51];
	_ =	sdelay $0x4  }
0x34: {  	v3 =	vshra.s32 v3, $0x12;
	v4 =	vshra.s32 v56, $0x12  }
0x35: {  	vm1 =	vne.s32 v3, v4;
	_ =	sdelay $0x5  }
0x36: {  	[tilespmem:v3+s12+$0x0] =	vst.idx.msk vm1, v54  }
0x37: {  	v3 =	vld [tilespmem:s16+$0x10];
	_ =	sdelay $0x3  }
0x38: {  	s17 =	sadd.s32 $0x10, s15  }
0x39: {  	v57 =	vadd.s32 s17, v0;
	v3 =	vshll.u32 v3, $0x12  }
0x3a: {  	v3 =	vor.u32 v57, v3  }
0x3b: {  	v3 =	vxor.u32 $0x80000000, v3  }
0x3c: {  	(xrf1) =	vsort.ascd.msk.u32 $0xffff, v3, v57;
	_ =	sdelay $0x5  }
0x3d: {  	v3 =	vld [tilespmem:s16+$0x13A8];
	_ =	sdelay $0x4  }
0x3e: {  	v3 =	vshll.u32 v3, $0x12  }
0x3f: {  	v3 =	vor.u32 v57, v3  }
0x40: {  	v3 =	vxor.u32 $0x80000000, v3  }
0x41: {  	v59, v58, _ =	vpop (xrf1);
	(xrf1) =	vsort.ascd.msk.u32 $0xffff, v3, v57  }
0x42: {  	v3 =	vxor.u32 $0x80000000, v59  }
0x43: {  	[tilespmem:$0x4F70] =	vst v3  }
0x44: {  	v60 =	vld [tilespmem:$0x4F71];
	_ =	sdelay $0x4  }
0x45: {  	v3 =	vshra.s32 v3, $0x12;
	v4 =	vshra.s32 v60, $0x12  }
0x46: {  	vm1 =	vne.s32 v3, v4;
	_ =	sdelay $0x4  }
0x47: {  	v62, v61, _ =	vpop (xrf1)  }
0x48: {  	[tilespmem:v3+s11+$0x0] =	vst.idx.msk vm1, v58;
	v3 =	vxor.u32 $0x80000000, v62  }
0x49: {  	[tilespmem:$0x4F90] =	vst v3  }
0x4a: {  	v63 =	vld [tilespmem:$0x4F91];
	_ =	sdelay $0x4  }
0x4b: {  	v3 =	vshra.s32 v3, $0x12;
	v4 =	vshra.s32 v63, $0x12  }
0x4c: {  	vm1 =	vne.s32 v3, v4  }
0x4d: {  	p0 =	sne.s32 s14, $0x4D80  }
.Ltmp1:
0x4e: {  	_ = 	snop;
	(pc) =	sbr.rel @p0 .LBB2_4-.Ltmp1, $2  }
0x4f: {  	_ =	sdelay $0x2  }
0x50: {  	s15 =	sadd.s32 $0x20, s15;
	s14 =	sadd.s32 $0x80, s14;
	[tilespmem:v3+s12+$0x0] =	vst.idx.msk vm1, v61  }
0x51: {  	v3 =	vld [tilespmem:$0x1380];
	_ =	sdelay $0x4  }
0x52: {  	v3 =	vnsel vm0, $0x13FF, v3  }
0x53: {  	v3 =	vshll.u32 v3, $0x12  }
0x54: {  	v3 =	vor.u32 v1, v3  }
0x55: {  	v3 =	vxor.u32 $0x80000000, v3  }
0x56: {  	(xrf1) =	vsort.ascd.msk.u32 $0xffff, v3, v1;
	_ =	sdelay $0x4  }
0x57: {  	v3 =	vld [tilespmem:$0x2718];
	_ =	sdelay $0x4  }
0x58: {  	v3 =	vnsel vm0, $0x13FF, v3  }
0x59: {  	v3 =	vshll.u32 v3, $0x12  }
0x5a: {  	v3 =	vor.u32 v1, v3  }
0x5b: {  	v3 =	vxor.u32 $0x80000000, v3  }
0x5c: {  	v4, v5, _ =	vpop (xrf1);
	(xrf1) =	vsort.ascd.msk.u32 $0xffff, v3, v1  }
0x5d: {  	v3 =	vxor.u32 $0x80000000, v4  }
0x5e: {  	[tilespmem:$0x4F70] =	vst v3  }
0x5f: {  	v61 =	vld [tilespmem:$0x4F71];
	_ =	sdelay $0x4  }
0x60: {  	v3 =	vshra.s32 v3, $0x12;
	v4 =	vshra.s32 v61, $0x12  }
0x61: {  	vm1 =	vne.s32 v3, v4;
	_ =	sdelay $0x4  }
0x62: {  	v62, v6, _ =	vpop (xrf1)  }
0x63: {  	[tilespmem:v3+s11+$0x0] =	vst.idx.msk vm1, v5;
	v3 =	vxor.u32 $0x80000000, v62  }
0x64: {  	[tilespmem:$0x4F90] =	vst v3  }
0x65: {  	v63 =	vld [tilespmem:$0x4F91];
	_ =	sdelay $0x4  }
0x66: {  	v3 =	vshra.s32 v3, $0x12;
	v4 =	vshra.s32 v63, $0x12  }
0x67: {  	vm1 =	vne.s32 v3, v4;
	_ =	sdelay $0x5  }
0x68: {  	[tilespmem:v3+s12+$0x0] =	vst.idx.msk vm1, v6  }
0x69: {  	[hbm4b:s5+s2] =	stream.linear.scatter [tilespmem:s11], [sflag:$0x1], $0x1400, $0x38;
	[tilespmem:$0x4FB0] =	vst v63  }
0x6a: {  	s13 =	sadd.s32 $0x1, s13;
	_ =	swait.ge [sflag:s9], $0x1400  }
0x6b: {  	p0 =	sne.s32 s13, s7;
	[sflag:s9] =	ssyncset.done $0x0  }
.Ltmp2:
0x6c: {  	[sflag:s9] =	ssyncadd.s32 $0xFFFFEC00;
	(pc) =	sbr.rel @p0 .LBB2_1-.Ltmp2, $4  }
0x6d: {  	[hbm4b:s6+s2] =	stream.linear.scatter [tilespmem:s12], [sflag:$0x1], $0x1400, $0x38;
	[tilespmem:$0x4FB0] =	vst v63  }
0x6e: {  	_ =	swait.ge [sflag:s9], $0x1400  }
0x6f: {  	[sflag:s9] =	ssyncset.done $0x0  }
0x70: {  	[sflag:s9] =	ssyncadd.s32 $0xFFFFEC00  }
0x71: {  	_ =	sfence.sel $0x180000  }
0x72: {  	[bflag:$0x0] =	sbarrier.arrive $0xFFFF  }
0x73: {  	p0 =	sne.s32 s0, $0x0;
	_ =	strace $0x90000047  }
0x74: {  	s0 =	sadd.s32 @!p0 $0x100000, s1;
	[bflag:$0x2] =	sbarrier.arrive $0xFFFF  }
0x75: {  	[sflag:s0] =	ssyncadd.tile.s32 @!p0 $0x1;
	_ =	shalt  }
.Lfunc_end2:
_tile_overlayer_lowered:
.L_overlay_start_2:
0x76: {  	(tag) =	ssettag $0x2  }
0x77: {  	s0 =	rddreg [dreg:$0x0];
	s2 =	stileid.u32  }
0x78: {  	s1 =	rddreg [dreg:$0x1];
	p0 =	sne.s32 s2, $0x0  }
0x79: {  	s3 =	rddreg [dreg:$0x2];
	[bflag:$0x3] =	sbarrier.arrive $0xFFFF;
	s2 =	simm.s32 @!p0 $0x1C01  }
0x7a: {  	[timem:s3], [sflag:s2] =	dma.local @!p0 [hbm:s0], s1  }
0x7b: {  	s0 =	simm.s32 @!p0 $0x1  }
0x7c: {  	_ =	swait.ge @!p0 [sflag:s0], s1  }
0x7d: {  	s1 =	ssub.s32 @!p0 $0x0, s1;
	[sflag:s0] =	ssyncset.done @!p0 $0x0  }
0x7e: {  	[sflag:s0] =	ssyncadd.s32 @!p0 s1  }
0x7f: {  	[bflag:$0x3] =	sbarrier.arrive $0xFFFF  }
0x80: {  	_ =	shalt  }

</sc_bundles>
